<compile_context>
chip_gen: v7x
topology: tpu7x:2x2x1
jax: 0.10.2.dev20260603
libtpu: 0.0.44.dev20260713+nightly
codegen_flags: <defaults>
</compile_context>

<pallas_src>
import functools

import jax
from jax import lax
from jax.experimental import pallas as pl
from jax.experimental.pallas import tpu as pltpu
from jax.experimental.pallas import tpu_sc as plsc

_NC = 2
_NS = 16
_NW = _NC * _NS


@functools.lru_cache(maxsize=None)
def _make_sc(seq_len, batch, embed_dim, dtype):
    rows_per_w = seq_len // _NW
    chunk = min(rows_per_w, 128)
    n_chunks = rows_per_w // chunk
    mesh = plsc.VectorSubcoreMesh(core_axis_name="c", subcore_axis_name="s")

    @functools.partial(
        pl.kernel,
        mesh=mesh,
        out_type=jax.ShapeDtypeStruct((seq_len, batch, embed_dim), dtype),
        scratch_types=[
            pltpu.VMEM((chunk, embed_dim), dtype),
            pltpu.SemaphoreType.DMA,
            pltpu.SemaphoreType.DMA,
        ],
    )
    def k(table_hbm, out_hbm, buf, lsem, wsem):
        wid = lax.axis_index("s") * _NC + lax.axis_index("c")
        base = wid * rows_per_w
        for c in range(n_chunks):
            s0 = base + c * chunk
            ld = pltpu.make_async_copy(
                table_hbm.at[pl.ds(s0, chunk)], buf, lsem
            )
            ld.start()
            ld.wait()
            ws = []
            for b in range(batch):
                d = pltpu.make_async_copy(
                    buf, out_hbm.at[pl.ds(s0, chunk), b], wsem
                )
                d.start()
                ws.append(d)
            for d in ws:
                d.wait()

    return k


def kernel(x, pos_embedding):
    seq_len, batch = x.shape
    max_len, embed_dim = pos_embedding.shape
    k = _make_sc(seq_len, batch, embed_dim, pos_embedding.dtype)
    return k(pos_embedding)

# --- scband reference (transcript-rebuilt; emitter-appended) ---
"""Pipeline reference for scband-position-wise-embedding-7670811590707 (READ-ONLY COPY).

The authoritative reference and input builder live on the scoring server;
editing this copy changes nothing except your own understanding.
"""

import jax, jax.numpy as jnp
import numpy as np

MAX_LEN = 8192
EMBED_DIM = 768
SEQ_LEN = 8192
BATCH = 4


def setup_inputs(seed: int = 0) -> dict:
    key = jax.random.key(seed)
    k1, k2 = jax.random.split(key)
    # x: token ids, shape [seq_len, batch]; only its shape is used by the module
    x = jax.random.randint(k1, (SEQ_LEN, BATCH), 0, MAX_LEN, dtype=jnp.int32)
    # learned positional embedding table, like nn.Embedding(max_len, embedding_dim)
    pos_embedding = jax.random.normal(k2, (MAX_LEN, EMBED_DIM), dtype=jnp.float32)
    return {"x": x, "pos_embedding": pos_embedding}


def reference(x, pos_embedding):
    seq_len = x.shape[0]
    batch_size = x.shape[1]
    # pos = arange(seq_len).unsqueeze(1).repeat(1, batch_size)
    pos = jnp.tile(jnp.arange(seq_len, dtype=jnp.int32)[:, None], (1, batch_size))
    # embedding lookup: table[pos] -> [seq_len, batch, embedding_dim]
    out = jnp.take(pos_embedding, pos, axis=0)
    return out

if __name__ == "__main__":
    import jax
    _d = setup_inputs()
    print(jax.jit(kernel)(*tuple(_d.values())))

</pallas_src>

<mosaic_0001>
#map = affine_map<(d0, d1) -> (0, 0)>
#map1 = affine_map<(d0, d1) -> (0, 0, 0)>
module attributes {stable_mosaic.version = 14 : i64} {
  func.func @k(%arg0: i32, %arg1: i32, %arg2: memref<8192x768xf32, #tpu.memory_space<hbm>>, %arg3: memref<8192x4x768xf32, #tpu.memory_space<hbm>>, %arg4: memref<128x768xf32, #tpu.memory_space<vmem>>, %arg5: memref<!tpu.dma_semaphore, #tpu.memory_space<semaphore_mem>>, %arg6: memref<!tpu.dma_semaphore, #tpu.memory_space<semaphore_mem>>) attributes {dimension_semantics = [#tpu.dimension_semantics<core_parallel>, #tpu.dimension_semantics<subcore_parallel>], iteration_bounds = array<i64: 2, 16>, scalar_prefetch = 0 : i64, scratch_operands = 3 : i64, tpu.core_type = #tpu.core_type<sc_vector_subcore>, window_params = [{transform_indices = #map}, {transform_indices = #map1}]} {
    %mul3A = arith.constant 2 : i32
    %mul3A_0 = arith.muli %arg1, %mul3A : i32
    %add3A = arith.addi %mul3A_0, %arg0 : i32
    %mul3A_1 = arith.constant 256 : i32
    %mul3A_2 = arith.muli %add3A, %mul3A_1 : i32
    %add3A_3 = arith.constant 0 : i32
    %add3A_4 = arith.addi %mul3A_2, %add3A_3 : i32
    %dma_start3A = arith.constant 0 : i32
    %dma_start3A_5 = tpu.memref_slice %arg2[%add3A_4, %dma_start3A] : memref<8192x768xf32, #tpu.memory_space<hbm>> -> memref<128x768xf32, #tpu.memory_space<hbm>>
    %dma_start3A_6 = arith.constant 0 : i32
    %dma_start3A_7 = tpu.memref_slice %arg2[%add3A_4, %dma_start3A_6] : memref<8192x768xf32, #tpu.memory_space<hbm>> -> memref<128x768xf32, #tpu.memory_space<hbm>>
    tpu.enqueue_dma source(%dma_start3A_7 : memref<128x768xf32, #tpu.memory_space<hbm>>) target(%arg4 : memref<128x768xf32, #tpu.memory_space<vmem>>) target_semaphore(%arg5 : memref<!tpu.dma_semaphore, #tpu.memory_space<semaphore_mem>>)
    %dma_wait3A = arith.constant 0 : i32
    %dma_wait3A_8 = tpu.memref_slice %arg2[%add3A_4, %dma_wait3A] : memref<8192x768xf32, #tpu.memory_space<hbm>> -> memref<128x768xf32, #tpu.memory_space<hbm>>
    %dma_wait3A_9 = arith.constant 0 : i32
    %dma_wait3A_10 = tpu.memref_slice %arg2[%add3A_4, %dma_wait3A_9] : memref<8192x768xf32, #tpu.memory_space<hbm>> -> memref<128x768xf32, #tpu.memory_space<hbm>>
    tpu.wait_dma2 semaphore(%arg5 : memref<!tpu.dma_semaphore, #tpu.memory_space<semaphore_mem>>) src(%dma_wait3A_10 : memref<128x768xf32, #tpu.memory_space<hbm>>) dst(%arg4 : memref<128x768xf32, #tpu.memory_space<vmem>>)
    %dma_start3A_11 = arith.constant 0 : i32
    %dma_start3A_12 = arith.constant 0 : i32
    %dma_start3A_13 = tpu.memref_slice %arg3[%add3A_4, %dma_start3A_11, %dma_start3A_12] : memref<8192x4x768xf32, #tpu.memory_space<hbm>> -> memref<128x1x768xf32, #tpu.memory_space<hbm>>
    %dma_start3A_14 = tpu.memref_squeeze %dma_start3A_13 : memref<128x1x768xf32, #tpu.memory_space<hbm>> -> memref<128x768xf32, #tpu.memory_space<hbm>>
    %dma_start3A_15 = arith.constant 0 : i32
    %dma_start3A_16 = tpu.memref_slice %arg3[%add3A_4, %dma_start3A_11, %dma_start3A_15] : memref<8192x4x768xf32, #tpu.memory_space<hbm>> -> memref<128x1x768xf32, #tpu.memory_space<hbm>>
    %dma_start3A_17 = tpu.memref_squeeze %dma_start3A_16 : memref<128x1x768xf32, #tpu.memory_space<hbm>> -> memref<128x768xf32, #tpu.memory_space<hbm>>
    tpu.enqueue_dma source(%arg4 : memref<128x768xf32, #tpu.memory_space<vmem>>) target(%dma_start3A_17 : memref<128x768xf32, #tpu.memory_space<hbm>>) target_semaphore(%arg6 : memref<!tpu.dma_semaphore, #tpu.memory_space<semaphore_mem>>)
    %dma_start3A_18 = arith.constant 1 : i32
    %dma_start3A_19 = arith.constant 0 : i32
    %dma_start3A_20 = tpu.memref_slice %arg3[%add3A_4, %dma_start3A_18, %dma_start3A_19] : memref<8192x4x768xf32, #tpu.memory_space<hbm>> -> memref<128x1x768xf32, #tpu.memory_space<hbm>>
    %dma_start3A_21 = tpu.memref_squeeze %dma_start3A_20 : memref<128x1x768xf32, #tpu.memory_space<hbm>> -> memref<128x768xf32, #tpu.memory_space<hbm>>
    %dma_start3A_22 = arith.constant 0 : i32
    %dma_start3A_23 = tpu.memref_slice %arg3[%add3A_4, %dma_start3A_18, %dma_start3A_22] : memref<8192x4x768xf32, #tpu.memory_space<hbm>> -> memref<128x1x768xf32, #tpu.memory_space<hbm>>
    %dma_start3A_24 = tpu.memref_squeeze %dma_start3A_23 : memref<128x1x768xf32, #tpu.memory_space<hbm>> -> memref<128x768xf32, #tpu.memory_space<hbm>>
    tpu.enqueue_dma source(%arg4 : memref<128x768xf32, #tpu.memory_space<vmem>>) target(%dma_start3A_24 : memref<128x768xf32, #tpu.memory_space<hbm>>) target_semaphore(%arg6 : memref<!tpu.dma_semaphore, #tpu.memory_space<semaphore_mem>>)
    %dma_start3A_25 = arith.constant 2 : i32
    %dma_start3A_26 = arith.constant 0 : i32
    %dma_start3A_27 = tpu.memref_slice %arg3[%add3A_4, %dma_start3A_25, %dma_start3A_26] : memref<8192x4x768xf32, #tpu.memory_space<hbm>> -> memref<128x1x768xf32, #tpu.memory_space<hbm>>
    %dma_start3A_28 = tpu.memref_squeeze %dma_start3A_27 : memref<128x1x768xf32, #tpu.memory_space<hbm>> -> memref<128x768xf32, #tpu.memory_space<hbm>>
    %dma_start3A_29 = arith.constant 0 : i32
    %dma_start3A_30 = tpu.memref_slice %arg3[%add3A_4, %dma_start3A_25, %dma_start3A_29] : memref<8192x4x768xf32, #tpu.memory_space<hbm>> -> memref<128x1x768xf32, #tpu.memory_space<hbm>>
    %dma_start3A_31 = tpu.memref_squeeze %dma_start3A_30 : memref<128x1x768xf32, #tpu.memory_space<hbm>> -> memref<128x768xf32, #tpu.memory_space<hbm>>
    tpu.enqueue_dma source(%arg4 : memref<128x768xf32, #tpu.memory_space<vmem>>) target(%dma_start3A_31 : memref<128x768xf32, #tpu.memory_space<hbm>>) target_semaphore(%arg6 : memref<!tpu.dma_semaphore, #tpu.memory_space<semaphore_mem>>)
    %dma_start3A_32 = arith.constant 3 : i32
    %dma_start3A_33 = arith.constant 0 : i32
    %dma_start3A_34 = tpu.memref_slice %arg3[%add3A_4, %dma_start3A_32, %dma_start3A_33] : memref<8192x4x768xf32, #tpu.memory_space<hbm>> -> memref<128x1x768xf32, #tpu.memory_space<hbm>>
    %dma_start3A_35 = tpu.memref_squeeze %dma_start3A_34 : memref<128x1x768xf32, #tpu.memory_space<hbm>> -> memref<128x768xf32, #tpu.memory_space<hbm>>
    %dma_start3A_36 = arith.constant 0 : i32
    %dma_start3A_37 = tpu.memref_slice %arg3[%add3A_4, %dma_start3A_32, %dma_start3A_36] : memref<8192x4x768xf32, #tpu.memory_space<hbm>> -> memref<128x1x768xf32, #tpu.memory_space<hbm>>
    %dma_start3A_38 = tpu.memref_squeeze %dma_start3A_37 : memref<128x1x768xf32, #tpu.memory_space<hbm>> -> memref<128x768xf32, #tpu.memory_space<hbm>>
    tpu.enqueue_dma source(%arg4 : memref<128x768xf32, #tpu.memory_space<vmem>>) target(%dma_start3A_38 : memref<128x768xf32, #tpu.memory_space<hbm>>) target_semaphore(%arg6 : memref<!tpu.dma_semaphore, #tpu.memory_space<semaphore_mem>>)
    %dma_wait3A_39 = arith.constant 0 : i32
    %dma_wait3A_40 = arith.constant 0 : i32
    %dma_wait3A_41 = tpu.memref_slice %arg3[%add3A_4, %dma_wait3A_39, %dma_wait3A_40] : memref<8192x4x768xf32, #tpu.memory_space<hbm>> -> memref<128x1x768xf32, #tpu.memory_space<hbm>>
    %dma_wait3A_42 = tpu.memref_squeeze %dma_wait3A_41 : memref<128x1x768xf32, #tpu.memory_space<hbm>> -> memref<128x768xf32, #tpu.memory_space<hbm>>
    %dma_wait3A_43 = arith.constant 0 : i32
    %dma_wait3A_44 = tpu.memref_slice %arg3[%add3A_4, %dma_wait3A_39, %dma_wait3A_43] : memref<8192x4x768xf32, #tpu.memory_space<hbm>> -> memref<128x1x768xf32, #tpu.memory_space<hbm>>
    %dma_wait3A_45 = tpu.memref_squeeze %dma_wait3A_44 : memref<128x1x768xf32, #tpu.memory_space<hbm>> -> memref<128x768xf32, #tpu.memory_space<hbm>>
    tpu.wait_dma2 semaphore(%arg6 : memref<!tpu.dma_semaphore, #tpu.memory_space<semaphore_mem>>) src(%arg4 : memref<128x768xf32, #tpu.memory_space<vmem>>) dst(%dma_wait3A_45 : memref<128x768xf32, #tpu.memory_space<hbm>>)
    %dma_wait3A_46 = arith.constant 1 : i32
    %dma_wait3A_47 = arith.constant 0 : i32
    %dma_wait3A_48 = tpu.memref_slice %arg3[%add3A_4, %dma_wait3A_46, %dma_wait3A_47] : memref<8192x4x768xf32, #tpu.memory_space<hbm>> -> memref<128x1x768xf32, #tpu.memory_space<hbm>>
    %dma_wait3A_49 = tpu.memref_squeeze %dma_wait3A_48 : memref<128x1x768xf32, #tpu.memory_space<hbm>> -> memref<128x768xf32, #tpu.memory_space<hbm>>
    %dma_wait3A_50 = arith.constant 0 : i32
    %dma_wait3A_51 = tpu.memref_slice %arg3[%add3A_4, %dma_wait3A_46, %dma_wait3A_50] : memref<8192x4x768xf32, #tpu.memory_space<hbm>> -> memref<128x1x768xf32, #tpu.memory_space<hbm>>
    %dma_wait3A_52 = tpu.memref_squeeze %dma_wait3A_51 : memref<128x1x768xf32, #tpu.memory_space<hbm>> -> memref<128x768xf32, #tpu.memory_space<hbm>>
    tpu.wait_dma2 semaphore(%arg6 : memref<!tpu.dma_semaphore, #tpu.memory_space<semaphore_mem>>) src(%arg4 : memref<128x768xf32, #tpu.memory_space<vmem>>) dst(%dma_wait3A_52 : memref<128x768xf32, #tpu.memory_space<hbm>>)
    %dma_wait3A_53 = arith.constant 2 : i32
    %dma_wait3A_54 = arith.constant 0 : i32
    %dma_wait3A_55 = tpu.memref_slice %arg3[%add3A_4, %dma_wait3A_53, %dma_wait3A_54] : memref<8192x4x768xf32, #tpu.memory_space<hbm>> -> memref<128x1x768xf32, #tpu.memory_space<hbm>>
    %dma_wait3A_56 = tpu.memref_squeeze %dma_wait3A_55 : memref<128x1x768xf32, #tpu.memory_space<hbm>> -> memref<128x768xf32, #tpu.memory_space<hbm>>
    %dma_wait3A_57 = arith.constant 0 : i32
    %dma_wait3A_58 = tpu.memref_slice %arg3[%add3A_4, %dma_wait3A_53, %dma_wait3A_57] : memref<8192x4x768xf32, #tpu.memory_space<hbm>> -> memref<128x1x768xf32, #tpu.memory_space<hbm>>
    %dma_wait3A_59 = tpu.memref_squeeze %dma_wait3A_58 : memref<128x1x768xf32, #tpu.memory_space<hbm>> -> memref<128x768xf32, #tpu.memory_space<hbm>>
    tpu.wait_dma2 semaphore(%arg6 : memref<!tpu.dma_semaphore, #tpu.memory_space<semaphore_mem>>) src(%arg4 : memref<128x768xf32, #tpu.memory_space<vmem>>) dst(%dma_wait3A_59 : memref<128x768xf32, #tpu.memory_space<hbm>>)
    %dma_wait3A_60 = arith.constant 3 : i32
    %dma_wait3A_61 = arith.constant 0 : i32
    %dma_wait3A_62 = tpu.memref_slice %arg3[%add3A_4, %dma_wait3A_60, %dma_wait3A_61] : memref<8192x4x768xf32, #tpu.memory_space<hbm>> -> memref<128x1x768xf32, #tpu.memory_space<hbm>>
    %dma_wait3A_63 = tpu.memref_squeeze %dma_wait3A_62 : memref<128x1x768xf32, #tpu.memory_space<hbm>> -> memref<128x768xf32, #tpu.memory_space<hbm>>
    %dma_wait3A_64 = arith.constant 0 : i32
    %dma_wait3A_65 = tpu.memref_slice %arg3[%add3A_4, %dma_wait3A_60, %dma_wait3A_64] : memref<8192x4x768xf32, #tpu.memory_space<hbm>> -> memref<128x1x768xf32, #tpu.memory_space<hbm>>
    %dma_wait3A_66 = tpu.memref_squeeze %dma_wait3A_65 : memref<128x1x768xf32, #tpu.memory_space<hbm>> -> memref<128x768xf32, #tpu.memory_space<hbm>>
    tpu.wait_dma2 semaphore(%arg6 : memref<!tpu.dma_semaphore, #tpu.memory_space<semaphore_mem>>) src(%arg4 : memref<128x768xf32, #tpu.memory_space<vmem>>) dst(%dma_wait3A_66 : memref<128x768xf32, #tpu.memory_space<hbm>>)
    %add3A_67 = arith.constant 128 : i32
    %add3A_68 = arith.addi %mul3A_2, %add3A_67 : i32
    %dma_start3A_69 = arith.constant 0 : i32
    %dma_start3A_70 = tpu.memref_slice %arg2[%add3A_68, %dma_start3A_69] : memref<8192x768xf32, #tpu.memory_space<hbm>> -> memref<128x768xf32, #tpu.memory_space<hbm>>
    %dma_start3A_71 = arith.constant 0 : i32
    %dma_start3A_72 = tpu.memref_slice %arg2[%add3A_68, %dma_start3A_71] : memref<8192x768xf32, #tpu.memory_space<hbm>> -> memref<128x768xf32, #tpu.memory_space<hbm>>
    tpu.enqueue_dma source(%dma_start3A_72 : memref<128x768xf32, #tpu.memory_space<hbm>>) target(%arg4 : memref<128x768xf32, #tpu.memory_space<vmem>>) target_semaphore(%arg5 : memref<!tpu.dma_semaphore, #tpu.memory_space<semaphore_mem>>)
    %dma_wait3A_73 = arith.constant 0 : i32
    %dma_wait3A_74 = tpu.memref_slice %arg2[%add3A_68, %dma_wait3A_73] : memref<8192x768xf32, #tpu.memory_space<hbm>> -> memref<128x768xf32, #tpu.memory_space<hbm>>
    %dma_wait3A_75 = arith.constant 0 : i32
    %dma_wait3A_76 = tpu.memref_slice %arg2[%add3A_68, %dma_wait3A_75] : memref<8192x768xf32, #tpu.memory_space<hbm>> -> memref<128x768xf32, #tpu.memory_space<hbm>>
    tpu.wait_dma2 semaphore(%arg5 : memref<!tpu.dma_semaphore, #tpu.memory_space<semaphore_mem>>) src(%dma_wait3A_76 : memref<128x768xf32, #tpu.memory_space<hbm>>) dst(%arg4 : memref<128x768xf32, #tpu.memory_space<vmem>>)
    %dma_start3A_77 = arith.constant 0 : i32
    %dma_start3A_78 = arith.constant 0 : i32
    %dma_start3A_79 = tpu.memref_slice %arg3[%add3A_68, %dma_start3A_77, %dma_start3A_78] : memref<8192x4x768xf32, #tpu.memory_space<hbm>> -> memref<128x1x768xf32, #tpu.memory_space<hbm>>
    %dma_start3A_80 = tpu.memref_squeeze %dma_start3A_79 : memref<128x1x768xf32, #tpu.memory_space<hbm>> -> memref<128x768xf32, #tpu.memory_space<hbm>>
    %dma_start3A_81 = arith.constant 0 : i32
    %dma_start3A_82 = tpu.memref_slice %arg3[%add3A_68, %dma_start3A_77, %dma_start3A_81] : memref<8192x4x768xf32, #tpu.memory_space<hbm>> -> memref<128x1x768xf32, #tpu.memory_space<hbm>>
    %dma_start3A_83 = tpu.memref_squeeze %dma_start3A_82 : memref<128x1x768xf32, #tpu.memory_space<hbm>> -> memref<128x768xf32, #tpu.memory_space<hbm>>
    tpu.enqueue_dma source(%arg4 : memref<128x768xf32, #tpu.memory_space<vmem>>) target(%dma_start3A_83 : memref<128x768xf32, #tpu.memory_space<hbm>>) target_semaphore(%arg6 : memref<!tpu.dma_semaphore, #tpu.memory_space<semaphore_mem>>)
    %dma_start3A_84 = arith.constant 1 : i32
    %dma_start3A_85 = arith.constant 0 : i32
    %dma_start3A_86 = tpu.memref_slice %arg3[%add3A_68, %dma_start3A_84, %dma_start3A_85] : memref<8192x4x768xf32, #tpu.memory_space<hbm>> -> memref<128x1x768xf32, #tpu.memory_space<hbm>>
    %dma_start3A_87 = tpu.memref_squeeze %dma_start3A_86 : memref<128x1x768xf32, #tpu.memory_space<hbm>> -> memref<128x768xf32, #tpu.memory_space<hbm>>
    %dma_start3A_88 = arith.constant 0 : i32
    %dma_start3A_89 = tpu.memref_slice %arg3[%add3A_68, %dma_start3A_84, %dma_start3A_88] : memref<8192x4x768xf32, #tpu.memory_space<hbm>> -> memref<128x1x768xf32, #tpu.memory_space<hbm>>
    %dma_start3A_90 = tpu.memref_squeeze %dma_start3A_89 : memref<128x1x768xf32, #tpu.memory_space<hbm>> -> memref<128x768xf32, #tpu.memory_space<hbm>>
    tpu.enqueue_dma source(%arg4 : memref<128x768xf32, #tpu.memory_space<vmem>>) target(%dma_start3A_90 : memref<128x768xf32, #tpu.memory_space<hbm>>) target_semaphore(%arg6 : memref<!tpu.dma_semaphore, #tpu.memory_space<semaphore_mem>>)
    %dma_start3A_91 = arith.constant 2 : i32
    %dma_start3A_92 = arith.constant 0 : i32
    %dma_start3A_93 = tpu.memref_slice %arg3[%add3A_68, %dma_start3A_91, %dma_start3A_92] : memref<8192x4x768xf32, #tpu.memory_space<hbm>> -> memref<128x1x768xf32, #tpu.memory_space<hbm>>
    %dma_start3A_94 = tpu.memref_squeeze %dma_start3A_93 : memref<128x1x768xf32, #tpu.memory_space<hbm>> -> memref<128x768xf32, #tpu.memory_space<hbm>>
    %dma_start3A_95 = arith.constant 0 : i32
    %dma_start3A_96 = tpu.memref_slice %arg3[%add3A_68, %dma_start3A_91, %dma_start3A_95] : memref<8192x4x768xf32, #tpu.memory_space<hbm>> -> memref<128x1x768xf32, #tpu.memory_space<hbm>>
    %dma_start3A_97 = tpu.memref_squeeze %dma_start3A_96 : memref<128x1x768xf32, #tpu.memory_space<hbm>> -> memref<128x768xf32, #tpu.memory_space<hbm>>
    tpu.enqueue_dma source(%arg4 : memref<128x768xf32, #tpu.memory_space<vmem>>) target(%dma_start3A_97 : memref<128x768xf32, #tpu.memory_space<hbm>>) target_semaphore(%arg6 : memref<!tpu.dma_semaphore, #tpu.memory_space<semaphore_mem>>)
    %dma_start3A_98 = arith.constant 3 : i32
    %dma_start3A_99 = arith.constant 0 : i32
    %dma_start3A_100 = tpu.memref_slice %arg3[%add3A_68, %dma_start3A_98, %dma_start3A_99] : memref<8192x4x768xf32, #tpu.memory_space<hbm>> -> memref<128x1x768xf32, #tpu.memory_space<hbm>>
    %dma_start3A_101 = tpu.memref_squeeze %dma_start3A_100 : memref<128x1x768xf32, #tpu.memory_space<hbm>> -> memref<128x768xf32, #tpu.memory_space<hbm>>
    %dma_start3A_102 = arith.constant 0 : i32
    %dma_start3A_103 = tpu.memref_slice %arg3[%add3A_68, %dma_start3A_98, %dma_start3A_102] : memref<8192x4x768xf32, #tpu.memory_space<hbm>> -> memref<128x1x768xf32, #tpu.memory_space<hbm>>
    %dma_start3A_104 = tpu.memref_squeeze %dma_start3A_103 : memref<128x1x768xf32, #tpu.memory_space<hbm>> -> memref<128x768xf32, #tpu.memory_space<hbm>>
    tpu.enqueue_dma source(%arg4 : memref<128x768xf32, #tpu.memory_space<vmem>>) target(%dma_start3A_104 : memref<128x768xf32, #tpu.memory_space<hbm>>) target_semaphore(%arg6 : memref<!tpu.dma_semaphore, #tpu.memory_space<semaphore_mem>>)
    %dma_wait3A_105 = arith.constant 0 : i32
    %dma_wait3A_106 = arith.constant 0 : i32
    %dma_wait3A_107 = tpu.memref_slice %arg3[%add3A_68, %dma_wait3A_105, %dma_wait3A_106] : memref<8192x4x768xf32, #tpu.memory_space<hbm>> -> memref<128x1x768xf32, #tpu.memory_space<hbm>>
    %dma_wait3A_108 = tpu.memref_squeeze %dma_wait3A_107 : memref<128x1x768xf32, #tpu.memory_space<hbm>> -> memref<128x768xf32, #tpu.memory_space<hbm>>
    %dma_wait3A_109 = arith.constant 0 : i32
    %dma_wait3A_110 = tpu.memref_slice %arg3[%add3A_68, %dma_wait3A_105, %dma_wait3A_109] : memref<8192x4x768xf32, #tpu.memory_space<hbm>> -> memref<128x1x768xf32, #tpu.memory_space<hbm>>
    %dma_wait3A_111 = tpu.memref_squeeze %dma_wait3A_110 : memref<128x1x768xf32, #tpu.memory_space<hbm>> -> memref<128x768xf32, #tpu.memory_space<hbm>>
    tpu.wait_dma2 semaphore(%arg6 : memref<!tpu.dma_semaphore, #tpu.memory_space<semaphore_mem>>) src(%arg4 : memref<128x768xf32, #tpu.memory_space<vmem>>) dst(%dma_wait3A_111 : memref<128x768xf32, #tpu.memory_space<hbm>>)
    %dma_wait3A_112 = arith.constant 1 : i32
    %dma_wait3A_113 = arith.constant 0 : i32
    %dma_wait3A_114 = tpu.memref_slice %arg3[%add3A_68, %dma_wait3A_112, %dma_wait3A_113] : memref<8192x4x768xf32, #tpu.memory_space<hbm>> -> memref<128x1x768xf32, #tpu.memory_space<hbm>>
    %dma_wait3A_115 = tpu.memref_squeeze %dma_wait3A_114 : memref<128x1x768xf32, #tpu.memory_space<hbm>> -> memref<128x768xf32, #tpu.memory_space<hbm>>
    %dma_wait3A_116 = arith.constant 0 : i32
    %dma_wait3A_117 = tpu.memref_slice %arg3[%add3A_68, %dma_wait3A_112, %dma_wait3A_116] : memref<8192x4x768xf32, #tpu.memory_space<hbm>> -> memref<128x1x768xf32, #tpu.memory_space<hbm>>
    %dma_wait3A_118 = tpu.memref_squeeze %dma_wait3A_117 : memref<128x1x768xf32, #tpu.memory_space<hbm>> -> memref<128x768xf32, #tpu.memory_space<hbm>>
    tpu.wait_dma2 semaphore(%arg6 : memref<!tpu.dma_semaphore, #tpu.memory_space<semaphore_mem>>) src(%arg4 : memref<128x768xf32, #tpu.memory_space<vmem>>) dst(%dma_wait3A_118 : memref<128x768xf32, #tpu.memory_space<hbm>>)
    %dma_wait3A_119 = arith.constant 2 : i32
    %dma_wait3A_120 = arith.constant 0 : i32
    %dma_wait3A_121 = tpu.memref_slice %arg3[%add3A_68, %dma_wait3A_119, %dma_wait3A_120] : memref<8192x4x768xf32, #tpu.memory_space<hbm>> -> memref<128x1x768xf32, #tpu.memory_space<hbm>>
    %dma_wait3A_122 = tpu.memref_squeeze %dma_wait3A_121 : memref<128x1x768xf32, #tpu.memory_space<hbm>> -> memref<128x768xf32, #tpu.memory_space<hbm>>
    %dma_wait3A_123 = arith.constant 0 : i32
    %dma_wait3A_124 = tpu.memref_slice %arg3[%add3A_68, %dma_wait3A_119, %dma_wait3A_123] : memref<8192x4x768xf32, #tpu.memory_space<hbm>> -> memref<128x1x768xf32, #tpu.memory_space<hbm>>
    %dma_wait3A_125 = tpu.memref_squeeze %dma_wait3A_124 : memref<128x1x768xf32, #tpu.memory_space<hbm>> -> memref<128x768xf32, #tpu.memory_space<hbm>>
    tpu.wait_dma2 semaphore(%arg6 : memref<!tpu.dma_semaphore, #tpu.memory_space<semaphore_mem>>) src(%arg4 : memref<128x768xf32, #tpu.memory_space<vmem>>) dst(%dma_wait3A_125 : memref<128x768xf32, #tpu.memory_space<hbm>>)
    %dma_wait3A_126 = arith.constant 3 : i32
    %dma_wait3A_127 = arith.constant 0 : i32
    %dma_wait3A_128 = tpu.memref_slice %arg3[%add3A_68, %dma_wait3A_126, %dma_wait3A_127] : memref<8192x4x768xf32, #tpu.memory_space<hbm>> -> memref<128x1x768xf32, #tpu.memory_space<hbm>>
    %dma_wait3A_129 = tpu.memref_squeeze %dma_wait3A_128 : memref<128x1x768xf32, #tpu.memory_space<hbm>> -> memref<128x768xf32, #tpu.memory_space<hbm>>
    %dma_wait3A_130 = arith.constant 0 : i32
    %dma_wait3A_131 = tpu.memref_slice %arg3[%add3A_68, %dma_wait3A_126, %dma_wait3A_130] : memref<8192x4x768xf32, #tpu.memory_space<hbm>> -> memref<128x1x768xf32, #tpu.memory_space<hbm>>
    %dma_wait3A_132 = tpu.memref_squeeze %dma_wait3A_131 : memref<128x1x768xf32, #tpu.memory_space<hbm>> -> memref<128x768xf32, #tpu.memory_space<hbm>>
    tpu.wait_dma2 semaphore(%arg6 : memref<!tpu.dma_semaphore, #tpu.memory_space<semaphore_mem>>) src(%arg4 : memref<128x768xf32, #tpu.memory_space<vmem>>) dst(%dma_wait3A_132 : memref<128x768xf32, #tpu.memory_space<hbm>>)
    return
  }
}

</mosaic_0001>

<sc_bundles>
// kernel: kernel.3.cloned.1.call-start
scs
__scs_entry_jumppad:
0x0: {  	(pc) =	sbr.rel $0x88, $3  }
0x1: {  	(tag) =	ssettag $0x0;
	lr =	simm.s32 $0x1  }
0x2: {  	[smem:$0x3FA0] =	sst lr;
	_ =	strace $0xD0000000  }
0x3: {  	_ = 	snop  }
0x4: {  	_ = 	snop  }
0x5: {  	_ = 	snop  }
0x6: {  	_ = 	snop  }
0x7: {  	_ = 	snop  }
__scs_overlays_trampoline_lowered:
0x8: {  	[smem:$0x3FAF] =	sst s0  }
0x9: {  	[smem:$0x3FB0] =	sst s1  }
0xa: {  	[smem:$0x3FB1] =	sst s2  }
0xb: {  	[smem:$0x3FB2] =	sst s3  }
0xc: {  	[smem:$0x3FB3] =	sst s4  }
0xd: {  	[smem:$0x3FB4] =	sst s5  }
0xe: {  	[smem:$0x3FB5] =	sst s6  }
0xf: {  	[smem:$0x3FB6] =	sst s7  }
0x10: {  	[smem:$0x3FB7] =	sst s8  }
0x11: {  	[smem:$0x3FB8] =	sst s9;
	s0 =	simm.s32 @!p0 $0x0  }
0x12: {  	s1 =	sld [smem:$0x3F9E];
	s0 =	simm.s32 @p0 $0x1  }
0x13: {  	[smem:$0x3FB9] =	sst s0;
	s0 =	simm.s32 @!p1 $0x0  }
0x14: {  	s2 =	sld [smem:$0x3F9D];
	s0 =	simm.s32 @p1 $0x1  }
0x15: {  	[smem:$0x3FBA] =	sst s0;
	s0 =	simm.s32 @!p2 $0x0  }
0x16: {  	s3 =	sld [smem:$0x3FDB];
	s0 =	simm.s32 @p2 $0x1  }
0x17: {  	s4 =	simm.s32 $0x1BF5;
	[smem:$0x3FBC] =	sst s0  }
0x18: {  	s0 =	sld [smem:$0x3F9F];
	_ =	swait.ge [sflag:s4], $0x0  }
0x19: {  	s7 =	sld [smem:$0x3FA0]  }
0x1a: {  	s8 =	sadd.s32 $0xFFFFE003, lr  }
0x1b: {  	s9 =	sadd.s32 $0xFFFFFEF7, lr;
	s5 =	simm.s32 $0xFFFFFFFF;
	p2 =	slt.u32 s8, $0xFFFFF086  }
0x1c: {  	p1 =	slt.u32 s9, $0xF7A;
	s5 =	simm.s32 @!p2 $0x0  }
0x1d: {  	s5 =	simm.s32 @p1 $0x1;
	p0 =	seq.s32 s7, s2  }
0x1e: {  	s7 =	smul.u32 @!p0 $0xF7A, s2;
	p2 =	seq.s32 @!p0 s5, $0x0  }
0x1f: {  	s9 =	smul.u32 $0xF7A, s1;
	s8 =	simm.s32 @!p0 $0x1BF5;
	p2 =	por !p2, p0  }
0x20: {  	[sflag:s8] =	ssyncset.s32 @!p0 $0xFFFFF086;
	s6 =	sadd.s32 @!p0 s3, s7;
	s7 =	simm.s32 @!p0 $0x108  }
0x21: {  	s3 =	sadd.s32 s3, s9;
	s6 =	sadd.s32 @!p0 $0x88, s6;
	s7 =	simm.s32 @p2 $0x1082  }
0x22: {  	[simem:s7], [sflag:s8] =	dma.local @!p0 [hbm:s6], $0xF7A  }
0x23: {  	s9 =	sor.u32 $0xD0000000, s2;
	s6 =	simm.s32 $0x108;
	_ =	swait.ge @!p0 [sflag:s8], $0x0  }
0x24: {  	s3 =	sadd.s32 $0x88, s3;
	s6 =	simm.s32 @!p1 $0x1082;
	[sflag:s4] =	ssyncset.s32 $0xFFFFF086  }
0x25: {  	[simem:s6], [sflag:s4] =	dma.local [hbm:s3], $0xF7A  }
0x26: {  	[smem:$0x3FA0] =	sst s1;
	(tag) =	ssettag s2;
	_ =	strace s9  }
0x27: {  	s1 =	sld [smem:$0x3FB0]  }
0x28: {  	s2 =	sld [smem:$0x3FB1]  }
0x29: {  	s4 =	sld [smem:$0x3FB3]  }
0x2a: {  	p0 =	seq.s32 s5, $0x0;
	s5 =	sld [smem:$0x3FB4]  }
0x2b: {  	s6 =	sld [smem:$0x3FB5]  }
0x2c: {  	s7 =	sld [smem:$0x3FB6]  }
0x2d: {  	s3 =	simm.s32 $0x108;
	s8 =	sld [smem:$0x3FB7]  }
0x2e: {  	s3 =	simm.s32 @!p0 $0x1082;
	s9 =	sld [smem:$0x3FB8]  }
0x2f: {  	lr =	sadd.s32 s0, s3;
	s0 =	sld [smem:$0x3FAF]  }
0x30: {  	s3 =	sld [smem:$0x3FB2]  }
0x31: {  	[smem:$0x3FBB] =	sst s10  }
0x32: {  	s10 =	sld [smem:$0x3FB9];
	_ =	sdelay $0x3  }
0x33: {  	p0 =	seq.s32 s10, $0x1;
	s10 =	sld [smem:$0x3FBB];
	_ =	sdelay $0x3  }
0x34: {  	[smem:$0x3FBB] =	sst s10  }
0x35: {  	s10 =	sld [smem:$0x3FBA];
	_ =	sdelay $0x3  }
0x36: {  	p1 =	seq.s32 s10, $0x1;
	s10 =	sld [smem:$0x3FBB];
	_ =	sdelay $0x3  }
0x37: {  	[smem:$0x3FBB] =	sst s10  }
0x38: {  	s10 =	sld [smem:$0x3FBC]  }
0x39: {  	_ = 	snop;
	(pc) =	sbr.ind lr, $3  }
0x3a: {  	_ = 	snop  }
0x3b: {  	_ = 	snop  }
0x3c: {  	p2 =	seq.s32 s10, $0x1;
	s10 =	sld [smem:$0x3FBB]  }
0x3d: {  	_ =	shalt  }
0x3e: {  	_ =	shalt  }
0x3f: {  	_ =	shalt  }
0x40: {  	_ =	shalt  }
0x41: {  	_ =	shalt  }
0x42: {  	_ =	shalt  }
0x43: {  	_ =	shalt  }
0x44: {  	_ =	shalt  }
0x45: {  	_ =	shalt  }
0x46: {  	_ =	shalt  }
0x47: {  	_ =	shalt  }
0x48: {  	_ =	shalt  }
0x49: {  	_ =	shalt  }
0x4a: {  	_ =	shalt  }
0x4b: {  	_ =	shalt  }
0x4c: {  	_ =	shalt  }
0x4d: {  	_ =	shalt  }
0x4e: {  	_ =	shalt  }
0x4f: {  	_ =	shalt  }
0x50: {  	_ =	shalt  }
0x51: {  	_ =	shalt  }
0x52: {  	_ =	shalt  }
0x53: {  	_ =	shalt  }
0x54: {  	_ =	shalt  }
0x55: {  	_ =	shalt  }
0x56: {  	_ =	shalt  }
0x57: {  	_ =	shalt  }
0x58: {  	_ =	shalt  }
0x59: {  	_ =	shalt  }
0x5a: {  	_ =	shalt  }
0x5b: {  	_ =	shalt  }
0x5c: {  	_ =	shalt  }
0x5d: {  	_ =	shalt  }
0x5e: {  	_ =	shalt  }
0x5f: {  	_ =	shalt  }
0x60: {  	_ =	shalt  }
0x61: {  	_ =	shalt  }
0x62: {  	_ =	shalt  }
0x63: {  	_ =	shalt  }
0x64: {  	_ =	shalt  }
0x65: {  	_ =	shalt  }
0x66: {  	_ =	shalt  }
0x67: {  	_ =	shalt  }
0x68: {  	_ =	shalt  }
0x69: {  	_ =	shalt  }
0x6a: {  	_ =	shalt  }
0x6b: {  	_ =	shalt  }
0x6c: {  	_ =	shalt  }
0x6d: {  	_ =	shalt  }
0x6e: {  	_ =	shalt  }
0x6f: {  	_ =	shalt  }
0x70: {  	_ =	shalt  }
0x71: {  	_ =	shalt  }
0x72: {  	_ =	shalt  }
0x73: {  	_ =	shalt  }
0x74: {  	_ =	shalt  }
0x75: {  	_ =	shalt  }
0x76: {  	_ =	shalt  }
0x77: {  	_ =	shalt  }
0x78: {  	_ =	shalt  }
0x79: {  	_ =	shalt  }
0x7a: {  	_ =	shalt  }
0x7b: {  	_ =	shalt  }
0x7c: {  	_ =	shalt  }
0x7d: {  	_ =	shalt  }
0x7e: {  	_ =	shalt  }
0x7f: {  	_ =	shalt  }
0x80: {  	_ =	shalt  }
0x81: {  	_ =	shalt  }
0x82: {  	_ =	shalt  }
0x83: {  	_ =	shalt  }
0x84: {  	_ =	shalt  }
0x85: {  	_ =	shalt  }
0x86: {  	_ =	shalt  }
0x87: {  	_ =	shalt  }
.Lfunc_end0:
.L_simem_size_0:
called_computation_lowered:
.L_overlay_start_0:
0x88: {  	s2 =	sld [smem:$0x3FD9]  }
0x89: {  	s3 =	sld [smem:$0x3FFE];
	_ =	sdelay $0x1  }
0x8a: {  	s1 =	srdreg.scid  }
0x8b: {  	s0 =	sand.u32 $0x1, s1  }
0x8c: {  	s18 =	sshll.u32 s0, $0xA;
	s2 =	sadd.s32 s3, s2  }
0x8d: {  	s2 =	sadd.s32 s2, s18  }
0x8e: {  	[smem:$0x3FC7] =	sst s2  }
0x8f: {  	_ = 	snop  }
0x90: {  	s2 =	sld [smem:$0x3FC9]  }
0x91: {  	s19 =	sld [smem:$0x3FD0];
	(tm) =	ssettm $0x1  }
0x92: {  	s4 =	sld [smem:$0x3FFB];
	_ =	sdelay $0x3  }
0x93: {  	_ =	strace s4  }
0x94: {  	s4 =	sld [smem:$0x3FFC];
	_ =	sdelay $0x3  }
0x95: {  	_ =	strace s4  }
0x96: {  	s4 =	sld [smem:$0x3FFD];
	_ =	sdelay $0x3  }
0x97: {  	_ =	strace s4  }
0x98: {  	_ =	strace $0x8FFFFFFF  }
0x99: {  	s20 =	sld [smem:$0x3FDB];
	_ =	sdelay $0x1  }
0x9a: {  	s5 =	simm.s32 $_scs_section_size  }
0x9b: {  	s6 =	simm.s32 $_size__tile_overlayer_lowered;
	s7 =	simm.s32 $_tile_overlayer_lowered  }
0x9c: {  	s23 =	simm.s32 $0x1BFF;
	s22 =	sshll.u32 s7, $0x1;
	s4 =	sadd.s32 s5, s20  }
0x9d: {  	s8 =	simm.s32 $0x0;
	s21 =	sshll.u32 s6, $0x1;
	s6 =	sadd.s32 s22, s4  }
0x9e: {  	[timem:s8], [sflag:s23] =	dma.local [hbm:s6], s21  }
0x9f: {  	_ =	swait.ge [sflag:s23], s21  }
0xa0: {  	s5 =	ssub.s32 $0x0, s21;
	[sflag:s23] =	ssyncset.done $0x0  }
0xa1: {  	[sflag:s23] =	ssyncadd.s32 s5;
	_ =	sdelay $0x1  }
0xa2: {  	s24 =	simm.s32 $0x1B8B  }
0xa3: {  	_ =	swait.ge [sflag:s24], $0x1  }
0xa4: {  	[sflag:s24] =	ssyncset.done $0x0  }
0xa5: {  	s25 =	simm.s32 $0x1B8E;
	[sflag:s24] =	ssyncadd.s32 $0xFFFFFFFF  }
0xa6: {  	s26 =	simm.s32 $execute0_lowered;
	[smem:$0x3FD2] =	sst s25  }
0xa7: {  	s5 =	sshll.u32 s26, $0x1;
	_ =	strace $0x80000046;
	[dreg:$0x1] =	wrdreg $0xFFFFFFFF  }
0xa8: {  	s28 =	simm.s32 $_size_execute0_lowered;
	s4 =	sadd.s32 s4, s5;
	[dreg:$0x0] =	wrdreg $0x0  }
0xa9: {  	s5 =	sshll.u32 s28, $0x1;
	[dreg:$0x2] =	wrdreg s4  }
0xaa: {  	[dreg:$0x3] =	wrdreg s5  }
0xab: {  	[dreg:$0x4] =	wrdreg $0xC0  }
0xac: {  	_ =	task [dreg:s8], $0x5FFFF  }
0xad: {  	[dreg:$0x1] =	wrdreg $0xFFFFFFFF  }
0xae: {  	[dreg:$0x0] =	wrdreg $0x60  }
0xaf: {  	[dreg:$0x2] =	wrdreg s2  }
0xb0: {  	[dreg:$0x3] =	wrdreg s19  }
0xb1: {  	[dreg:$0x4] =	wrdreg $0x9  }
0xb2: {  	_ =	task.clear_ibuf [dreg:s8], $0x5FFFF;
	_ =	strace $0x90000046  }
0xb3: {  	s29 =	simm.s32 $0x9;
	_ =	strace $0x80000048  }
0xb4: {  	_ =	swait.ge [sflag:s29], $0x1  }
0xb5: {  	[sflag:s29] =	ssyncadd.s32 $0xFFFFFFFF  }
0xb6: {  	_ =	strace $0x90000048  }
0xb7: {  	_ =	sfence  }
0xb8: {  	s30 =	sld [smem:$0x0];
	_ =	sdelay $0x2  }
0xb9: {  	s31 =	sshll.u32 s1, $0xD;
	s1 =	sshrl.u32 s1, $0x2  }
0xba: {  	s3 =	sand.u32 $0x4000, s31;
	s1 =	sadd.s32 s1, s30  }
0xbb: {  	s0 =	sor.u32 s3, s0;
	s1 =	sshll.u32 s1, $0x11  }
0xbc: {  	s0 =	sor.u32 s1, s0  }
0xbd: {  	s0 =	sadd.s32 $0x8F2B, s0  }
0xbe: {  	[sflag:s0] =	ssyncadd.remote.s32 $0x1  }
0xbf: {  	_ =	sfence.sel $0xFFFF  }
0xc0: {  	[dreg:$0x0] =	wrdreg $0xFFFFFFFF;
	(pc) =	sbr.abs _section_cstart, $3  }
0xc1: {  	[dreg:$0x1] =	wrdreg $0xFFFFFFFF  }
0xc2: {  	_ =	task.clear_ibuf [dreg:s8], $0x2FFFF;
	_ =	strace $0x9FFFFFFF  }
0xc3: {  	(tm) =	ssettm $0x7FFFFFFF  }
tec
execute0_lowered:
.L_overlay_start_1:
0x0: {  	(tag) =	ssettag $0x1  }
0x1: {  	s8 =	rddreg [dreg:$0x0]  }
0x2: {  	s9 =	rddreg [dreg:$0x1]  }
0x3: {  	s0 =	rddreg [dreg:$0x2];
	s3 =	srdreg.scid  }
0x4: {  	s1 =	stileid.u32;
	s2 =	simm.s32 $0x0;
	s17 =	simm.s32 $0x2  }
0x5: {  	s18 =	simm.s32 $0x0;
	s3 =	sand.u32 $0x1, s3;
	s4 =	sshll.u32 s1, $0x1  }
0x6: {  	[smem:$0x7FF] =	sst s2;
	s12 =	sadd.s32 $0x10, s9;
	s14 =	sadd.s32 $0x20, s9  }
0x7: {  	s16 =	sadd.s32 $0x30, s9;
	s4 =	sor.u32 s3, s4;
	s3 =	ssub.s32 $0x2, s3  }
0x8: {  	_ =	strace $0x80000047;
	s5 =	sshll.u32 s4, $0x8;
	s6 =	smul.u32 $0x6000, s4  }
0x9: {  	s7 =	sshrl.u32 s3, $0x1;
	s10 =	smul.u32 $0x18000, s4;
	s5 =	sor.u32 $0x80, s5  }
0xa: {  	s13 =	ssub.s32 s3, s7;
	s31 =	sshrl.u32 s5, $0x3;
	s3 =	sadd.s32 s8, s6  }
0xb: {  	s4 =	sadd.s32 s9, s10;
	s15 =	smul.u32 $0x180, s5;
	s5 =	sadd.s32 s10, s12  }
0xc: {  	s6 =	sadd.s32 s10, s14;
	s7 =	sadd.s32 s10, s16;
	s11 =	smul.u32 $0x300, s31  }
0xd: {  	s13 =	smax.u32 s13, $0x1;
	s9 =	sadd.s32 s9, s15;
	s10 =	sadd.s32 s15, s12  }
0xe: {  	s12 =	sadd.s32 s15, s16;
	s16 =	simm.s32 $0xC00;
	s8 =	sadd.s32 s8, s11  }
0xf: {  	s11 =	sadd.s32 s15, s14;
	s14 =	simm.s32 $0x1;
	s15 =	simm.s32 $0x80  }
.LBB2_1:
0x10: {  	[tilespmem:s2], [sflag:$0x1] =	stream.linear.gather [hbm4b:s3+s2], $0x18000, $0x38;
	[tilespmem:$0x18000] =	vst v63  }
0x11: {  	_ =	swait.ge [sflag:s14], $0x18000  }
0x12: {  	[sflag:s14] =	ssyncset.done $0x0  }
0x13: {  	s19 =	simm.s32 $0x0;
	[sflag:s14] =	ssyncadd.s32 $0xFFFE8000  }
0x14: {  	[hbm4b:s4+s15] =	stream.strided.scatter [tilespmem:s19], [sflag:$0x2], $0x400, s16, s15, $0x38;
	[tilespmem:$0x18000] =	vst v63  }
0x15: {  	s24 =	simm.s32 $0x400;
	s20 =	sadd.s32 $0x40, s4;
	s25 =	simm.s32 $0x800  }
0x16: {  	[hbm4b:s20+s15] =	stream.strided.scatter [tilespmem:s24], [sflag:$0x2], $0x400, s16, s15, $0x38;
	[tilespmem:$0x18000] =	vst v63  }
0x17: {  	s26 =	sadd.s32 $0x80, s4;
	s28 =	simm.s32 $0xC00;
	s29 =	sadd.s32 $0xC0, s4  }
0x18: {  	[hbm4b:s26+s15] =	stream.strided.scatter [tilespmem:s25], [sflag:$0x2], $0x400, s16, s15, $0x38;
	[tilespmem:$0x18000] =	vst v63  }
0x19: {  	s30 =	simm.s32 $0x1000;
	s31 =	sadd.s32 $0x100, s4;
	s21 =	simm.s32 $0x1400  }
0x1a: {  	[hbm4b:s29+s15] =	stream.strided.scatter [tilespmem:s28], [sflag:$0x2], $0x400, s16, s15, $0x38;
	[tilespmem:$0x18000] =	vst v63  }
0x1b: {  	s22 =	sadd.s32 $0x140, s4;
	s19 =	simm.s32 $0x6000;
	s20 =	sadd.s32 $0xC00, s4  }
0x1c: {  	[hbm4b:s31+s15] =	stream.strided.scatter [tilespmem:s30], [sflag:$0x2], $0x400, s16, s15, $0x38;
	[tilespmem:$0x18000] =	vst v63  }
.LBB2_2:
0x1d: {  	[hbm4b:s22+s15] =	stream.strided.scatter [tilespmem:s21], [sflag:$0x2], $0x400, s16, s15, $0x38;
	[tilespmem:$0x18000] =	vst v63  }
0x1e: {  	s21 =	sshra.s32 s19, $0x2;
	p0 =	sne.s32 s19, $0x5A000;
	s19 =	sadd.s32 $0x6000, s19  }
0x1f: {  	[hbm4b:s20+s15] =	stream.strided.scatter [tilespmem:s21], [sflag:$0x2], $0x400, s16, s15, $0x38;
	[tilespmem:$0x18000] =	vst v63  }
0x20: {  	s23 =	sadd.s32 $0x40, s20;
	s22 =	sadd.s32 $0x400, s21  }
0x21: {  	[hbm4b:s23+s15] =	stream.strided.scatter [tilespmem:s22], [sflag:$0x2], $0x400, s16, s15, $0x38;
	[tilespmem:$0x18000] =	vst v63  }
0x22: {  	s22 =	sadd.s32 $0x800, s21;
	s23 =	sadd.s32 $0x80, s20  }
0x23: {  	[hbm4b:s23+s15] =	stream.strided.scatter [tilespmem:s22], [sflag:$0x2], $0x400, s16, s15, $0x38;
	[tilespmem:$0x18000] =	vst v63  }
.Ltmp0:
0x24: {  	s22 =	sadd.s32 $0xC00, s21;
	s23 =	sadd.s32 $0xC0, s20;
	(pc) =	sbr.rel @p0 .LBB2_2-.Ltmp0, $4  }
0x25: {  	[hbm4b:s23+s15] =	stream.strided.scatter [tilespmem:s22], [sflag:$0x2], $0x400, s16, s15, $0x38;
	[tilespmem:$0x18000] =	vst v63  }
0x26: {  	s22 =	sadd.s32 $0x1000, s21;
	s23 =	sadd.s32 $0x100, s20  }
0x27: {  	[hbm4b:s23+s15] =	stream.strided.scatter [tilespmem:s22], [sflag:$0x2], $0x400, s16, s15, $0x38;
	[tilespmem:$0x18000] =	vst v63  }
0x28: {  	s21 =	sadd.s32 $0x1400, s21;
	s22 =	sadd.s32 $0x140, s20;
	s20 =	sadd.s32 $0xC00, s20  }
0x29: {  	[hbm4b:s22+s15] =	stream.strided.scatter [tilespmem:s21], [sflag:$0x2], $0x400, s16, s15, $0x38;
	[tilespmem:$0x18000] =	vst v63  }
0x2a: {  	s19 =	simm.s32 $0x0  }
0x2b: {  	[hbm4b:s5+s15] =	stream.strided.scatter [tilespmem:s19], [sflag:$0x2], $0x400, s16, s15, $0x38;
	[tilespmem:$0x18000] =	vst v63  }
0x2c: {  	s24 =	simm.s32 $0x400;
	s20 =	sadd.s32 $0x40, s5;
	s25 =	simm.s32 $0x800  }
0x2d: {  	[hbm4b:s20+s15] =	stream.strided.scatter [tilespmem:s24], [sflag:$0x2], $0x400, s16, s15, $0x38;
	[tilespmem:$0x18000] =	vst v63  }
0x2e: {  	s26 =	sadd.s32 $0x80, s5;
	s28 =	simm.s32 $0xC00;
	s29 =	sadd.s32 $0xC0, s5  }
0x2f: {  	[hbm4b:s26+s15] =	stream.strided.scatter [tilespmem:s25], [sflag:$0x2], $0x400, s16, s15, $0x38;
	[tilespmem:$0x18000] =	vst v63  }
0x30: {  	s30 =	simm.s32 $0x1000;
	s31 =	sadd.s32 $0x100, s5;
	s21 =	simm.s32 $0x1400  }
0x31: {  	[hbm4b:s29+s15] =	stream.strided.scatter [tilespmem:s28], [sflag:$0x2], $0x400, s16, s15, $0x38;
	[tilespmem:$0x18000] =	vst v63  }
0x32: {  	s22 =	sadd.s32 $0x140, s5;
	s19 =	simm.s32 $0x6000;
	s20 =	sadd.s32 $0xC00, s5  }
0x33: {  	[hbm4b:s31+s15] =	stream.strided.scatter [tilespmem:s30], [sflag:$0x2], $0x400, s16, s15, $0x38;
	[tilespmem:$0x18000] =	vst v63  }
.LBB2_4:
0x34: {  	[hbm4b:s22+s15] =	stream.strided.scatter [tilespmem:s21], [sflag:$0x2], $0x400, s16, s15, $0x38;
	[tilespmem:$0x18000] =	vst v63  }
0x35: {  	s21 =	sshra.s32 s19, $0x2;
	p0 =	sne.s32 s19, $0x5A000;
	s19 =	sadd.s32 $0x6000, s19  }
0x36: {  	[hbm4b:s20+s15] =	stream.strided.scatter [tilespmem:s21], [sflag:$0x2], $0x400, s16, s15, $0x38;
	[tilespmem:$0x18000] =	vst v63  }
0x37: {  	s23 =	sadd.s32 $0x40, s20;
	s22 =	sadd.s32 $0x400, s21  }
0x38: {  	[hbm4b:s23+s15] =	stream.strided.scatter [tilespmem:s22], [sflag:$0x2], $0x400, s16, s15, $0x38;
	[tilespmem:$0x18000] =	vst v63  }
0x39: {  	s22 =	sadd.s32 $0x800, s21;
	s23 =	sadd.s32 $0x80, s20  }
0x3a: {  	[hbm4b:s23+s15] =	stream.strided.scatter [tilespmem:s22], [sflag:$0x2], $0x400, s16, s15, $0x38;
	[tilespmem:$0x18000] =	vst v63  }
.Ltmp1:
0x3b: {  	s22 =	sadd.s32 $0xC00, s21;
	s23 =	sadd.s32 $0xC0, s20;
	(pc) =	sbr.rel @p0 .LBB2_4-.Ltmp1, $4  }
0x3c: {  	[hbm4b:s23+s15] =	stream.strided.scatter [tilespmem:s22], [sflag:$0x2], $0x400, s16, s15, $0x38;
	[tilespmem:$0x18000] =	vst v63  }
0x3d: {  	s22 =	sadd.s32 $0x1000, s21;
	s23 =	sadd.s32 $0x100, s20  }
0x3e: {  	[hbm4b:s23+s15] =	stream.strided.scatter [tilespmem:s22], [sflag:$0x2], $0x400, s16, s15, $0x38;
	[tilespmem:$0x18000] =	vst v63  }
0x3f: {  	s21 =	sadd.s32 $0x1400, s21;
	s22 =	sadd.s32 $0x140, s20;
	s20 =	sadd.s32 $0xC00, s20  }
0x40: {  	[hbm4b:s22+s15] =	stream.strided.scatter [tilespmem:s21], [sflag:$0x2], $0x400, s16, s15, $0x38;
	[tilespmem:$0x18000] =	vst v63  }
0x41: {  	s19 =	simm.s32 $0x0  }
0x42: {  	[hbm4b:s6+s15] =	stream.strided.scatter [tilespmem:s19], [sflag:$0x2], $0x400, s16, s15, $0x38;
	[tilespmem:$0x18000] =	vst v63  }
0x43: {  	s24 =	simm.s32 $0x400;
	s20 =	sadd.s32 $0x40, s6;
	s25 =	simm.s32 $0x800  }
0x44: {  	[hbm4b:s20+s15] =	stream.strided.scatter [tilespmem:s24], [sflag:$0x2], $0x400, s16, s15, $0x38;
	[tilespmem:$0x18000] =	vst v63  }
0x45: {  	s26 =	sadd.s32 $0x80, s6;
	s28 =	simm.s32 $0xC00;
	s29 =	sadd.s32 $0xC0, s6  }
0x46: {  	[hbm4b:s26+s15] =	stream.strided.scatter [tilespmem:s25], [sflag:$0x2], $0x400, s16, s15, $0x38;
	[tilespmem:$0x18000] =	vst v63  }
0x47: {  	s30 =	simm.s32 $0x1000;
	s31 =	sadd.s32 $0x100, s6;
	s21 =	simm.s32 $0x1400  }
0x48: {  	[hbm4b:s29+s15] =	stream.strided.scatter [tilespmem:s28], [sflag:$0x2], $0x400, s16, s15, $0x38;
	[tilespmem:$0x18000] =	vst v63  }
0x49: {  	s22 =	sadd.s32 $0x140, s6;
	s19 =	simm.s32 $0x6000;
	s20 =	sadd.s32 $0xC00, s6  }
0x4a: {  	[hbm4b:s31+s15] =	stream.strided.scatter [tilespmem:s30], [sflag:$0x2], $0x400, s16, s15, $0x38;
	[tilespmem:$0x18000] =	vst v63  }
.LBB2_6:
0x4b: {  	[hbm4b:s22+s15] =	stream.strided.scatter [tilespmem:s21], [sflag:$0x2], $0x400, s16, s15, $0x38;
	[tilespmem:$0x18000] =	vst v63  }
0x4c: {  	s21 =	sshra.s32 s19, $0x2;
	p0 =	sne.s32 s19, $0x5A000;
	s19 =	sadd.s32 $0x6000, s19  }
0x4d: {  	[hbm4b:s20+s15] =	stream.strided.scatter [tilespmem:s21], [sflag:$0x2], $0x400, s16, s15, $0x38;
	[tilespmem:$0x18000] =	vst v63  }
0x4e: {  	s23 =	sadd.s32 $0x40, s20;
	s22 =	sadd.s32 $0x400, s21  }
0x4f: {  	[hbm4b:s23+s15] =	stream.strided.scatter [tilespmem:s22], [sflag:$0x2], $0x400, s16, s15, $0x38;
	[tilespmem:$0x18000] =	vst v63  }
0x50: {  	s22 =	sadd.s32 $0x800, s21;
	s23 =	sadd.s32 $0x80, s20  }
0x51: {  	[hbm4b:s23+s15] =	stream.strided.scatter [tilespmem:s22], [sflag:$0x2], $0x400, s16, s15, $0x38;
	[tilespmem:$0x18000] =	vst v63  }
.Ltmp2:
0x52: {  	s22 =	sadd.s32 $0xC00, s21;
	s23 =	sadd.s32 $0xC0, s20;
	(pc) =	sbr.rel @p0 .LBB2_6-.Ltmp2, $4  }
0x53: {  	[hbm4b:s23+s15] =	stream.strided.scatter [tilespmem:s22], [sflag:$0x2], $0x400, s16, s15, $0x38;
	[tilespmem:$0x18000] =	vst v63  }
0x54: {  	s22 =	sadd.s32 $0x1000, s21;
	s23 =	sadd.s32 $0x100, s20  }
0x55: {  	[hbm4b:s23+s15] =	stream.strided.scatter [tilespmem:s22], [sflag:$0x2], $0x400, s16, s15, $0x38;
	[tilespmem:$0x18000] =	vst v63  }
0x56: {  	s21 =	sadd.s32 $0x1400, s21;
	s22 =	sadd.s32 $0x140, s20;
	s20 =	sadd.s32 $0xC00, s20  }
0x57: {  	[hbm4b:s22+s15] =	stream.strided.scatter [tilespmem:s21], [sflag:$0x2], $0x400, s16, s15, $0x38;
	[tilespmem:$0x18000] =	vst v63  }
0x58: {  	s19 =	simm.s32 $0x0  }
0x59: {  	[hbm4b:s7+s15] =	stream.strided.scatter [tilespmem:s19], [sflag:$0x2], $0x400, s16, s15, $0x38;
	[tilespmem:$0x18000] =	vst v63  }
0x5a: {  	s24 =	simm.s32 $0x400;
	s20 =	sadd.s32 $0x40, s7;
	s25 =	simm.s32 $0x800  }
0x5b: {  	[hbm4b:s20+s15] =	stream.strided.scatter [tilespmem:s24], [sflag:$0x2], $0x400, s16, s15, $0x38;
	[tilespmem:$0x18000] =	vst v63  }
0x5c: {  	s26 =	sadd.s32 $0x80, s7;
	s28 =	simm.s32 $0xC00;
	s29 =	sadd.s32 $0xC0, s7  }
0x5d: {  	[hbm4b:s26+s15] =	stream.strided.scatter [tilespmem:s25], [sflag:$0x2], $0x400, s16, s15, $0x38;
	[tilespmem:$0x18000] =	vst v63  }
0x5e: {  	s30 =	simm.s32 $0x1000;
	s31 =	sadd.s32 $0x100, s7;
	s21 =	simm.s32 $0x1400  }
0x5f: {  	[hbm4b:s29+s15] =	stream.strided.scatter [tilespmem:s28], [sflag:$0x2], $0x400, s16, s15, $0x38;
	[tilespmem:$0x18000] =	vst v63  }
0x60: {  	s22 =	sadd.s32 $0x140, s7;
	s19 =	simm.s32 $0x6000;
	s20 =	sadd.s32 $0xC00, s7  }
0x61: {  	[hbm4b:s31+s15] =	stream.strided.scatter [tilespmem:s30], [sflag:$0x2], $0x400, s16, s15, $0x38;
	[tilespmem:$0x18000] =	vst v63  }
.LBB2_8:
0x62: {  	[hbm4b:s22+s15] =	stream.strided.scatter [tilespmem:s21], [sflag:$0x2], $0x400, s16, s15, $0x38;
	[tilespmem:$0x18000] =	vst v63  }
0x63: {  	s21 =	sshra.s32 s19, $0x2;
	p0 =	sne.s32 s19, $0x5A000;
	s19 =	sadd.s32 $0x6000, s19  }
0x64: {  	[hbm4b:s20+s15] =	stream.strided.scatter [tilespmem:s21], [sflag:$0x2], $0x400, s16, s15, $0x38;
	[tilespmem:$0x18000] =	vst v63  }
0x65: {  	s23 =	sadd.s32 $0x40, s20;
	s22 =	sadd.s32 $0x400, s21  }
0x66: {  	[hbm4b:s23+s15] =	stream.strided.scatter [tilespmem:s22], [sflag:$0x2], $0x400, s16, s15, $0x38;
	[tilespmem:$0x18000] =	vst v63  }
0x67: {  	s22 =	sadd.s32 $0x800, s21;
	s23 =	sadd.s32 $0x80, s20  }
0x68: {  	[hbm4b:s23+s15] =	stream.strided.scatter [tilespmem:s22], [sflag:$0x2], $0x400, s16, s15, $0x38;
	[tilespmem:$0x18000] =	vst v63  }
.Ltmp3:
0x69: {  	s22 =	sadd.s32 $0xC00, s21;
	s23 =	sadd.s32 $0xC0, s20;
	(pc) =	sbr.rel @p0 .LBB2_8-.Ltmp3, $4  }
0x6a: {  	[hbm4b:s23+s15] =	stream.strided.scatter [tilespmem:s22], [sflag:$0x2], $0x400, s16, s15, $0x38;
	[tilespmem:$0x18000] =	vst v63  }
0x6b: {  	s22 =	sadd.s32 $0x1000, s21;
	s23 =	sadd.s32 $0x100, s20  }
0x6c: {  	[hbm4b:s23+s15] =	stream.strided.scatter [tilespmem:s22], [sflag:$0x2], $0x400, s16, s15, $0x38;
	[tilespmem:$0x18000] =	vst v63  }
0x6d: {  	s21 =	sadd.s32 $0x1400, s21;
	s22 =	sadd.s32 $0x140, s20;
	s20 =	sadd.s32 $0xC00, s20  }
0x6e: {  	[hbm4b:s22+s15] =	stream.strided.scatter [tilespmem:s21], [sflag:$0x2], $0x400, s16, s15, $0x38;
	[tilespmem:$0x18000] =	vst v63  }
0x6f: {  	_ =	swait.ge [sflag:s17], $0x18000  }
0x70: {  	[sflag:s17] =	ssyncset.done $0x0  }
0x71: {  	[sflag:s17] =	ssyncadd.s32 $0xFFFE8000  }
0x72: {  	_ =	swait.ge [sflag:s17], $0x18000  }
0x73: {  	[sflag:s17] =	ssyncset.done $0x0  }
0x74: {  	[sflag:s17] =	ssyncadd.s32 $0xFFFE8000  }
0x75: {  	_ =	swait.ge [sflag:s17], $0x18000  }
0x76: {  	[sflag:s17] =	ssyncset.done $0x0  }
0x77: {  	[sflag:s17] =	ssyncadd.s32 $0xFFFE8000  }
0x78: {  	_ =	swait.ge [sflag:s17], $0x18000  }
0x79: {  	[sflag:s17] =	ssyncset.done $0x0  }
0x7a: {  	s19 =	simm.s32 $0x0;
	[sflag:s17] =	ssyncadd.s32 $0xFFFE8000  }
0x7b: {  	[tilespmem:s19], [sflag:$0x1] =	stream.linear.gather [hbm4b:s8+s19], $0x18000, $0x38;
	[tilespmem:$0x18000] =	vst v63  }
0x7c: {  	_ =	swait.ge [sflag:s14], $0x18000  }
0x7d: {  	[sflag:s14] =	ssyncset.done $0x0  }
0x7e: {  	s23 =	simm.s32 $0x0;
	[sflag:s14] =	ssyncadd.s32 $0xFFFE8000  }
0x7f: {  	[hbm4b:s9+s15] =	stream.strided.scatter [tilespmem:s23], [sflag:$0x2], $0x400, s16, s15, $0x38;
	[tilespmem:$0x18000] =	vst v63  }
0x80: {  	s24 =	simm.s32 $0x400;
	s20 =	sadd.s32 $0x40, s9;
	s25 =	simm.s32 $0x800  }
0x81: {  	[hbm4b:s20+s15] =	stream.strided.scatter [tilespmem:s24], [sflag:$0x2], $0x400, s16, s15, $0x38;
	[tilespmem:$0x18000] =	vst v63  }
0x82: {  	s26 =	sadd.s32 $0x80, s9;
	s28 =	simm.s32 $0xC00;
	s29 =	sadd.s32 $0xC0, s9  }
0x83: {  	[hbm4b:s26+s15] =	stream.strided.scatter [tilespmem:s25], [sflag:$0x2], $0x400, s16, s15, $0x38;
	[tilespmem:$0x18000] =	vst v63  }
0x84: {  	s30 =	simm.s32 $0x1000;
	s31 =	sadd.s32 $0x100, s9;
	s21 =	simm.s32 $0x1400  }
0x85: {  	[hbm4b:s29+s15] =	stream.strided.scatter [tilespmem:s28], [sflag:$0x2], $0x400, s16, s15, $0x38;
	[tilespmem:$0x18000] =	vst v63  }
0x86: {  	s22 =	sadd.s32 $0x140, s9;
	s19 =	simm.s32 $0x6000;
	s20 =	sadd.s32 $0xC00, s9  }
0x87: {  	[hbm4b:s31+s15] =	stream.strided.scatter [tilespmem:s30], [sflag:$0x2], $0x400, s16, s15, $0x38;
	[tilespmem:$0x18000] =	vst v63  }
.LBB2_10:
0x88: {  	[hbm4b:s22+s15] =	stream.strided.scatter [tilespmem:s21], [sflag:$0x2], $0x400, s16, s15, $0x38;
	[tilespmem:$0x18000] =	vst v63  }
0x89: {  	s21 =	sshra.s32 s19, $0x2;
	p0 =	sne.s32 s19, $0x5A000;
	s19 =	sadd.s32 $0x6000, s19  }
0x8a: {  	[hbm4b:s20+s15] =	stream.strided.scatter [tilespmem:s21], [sflag:$0x2], $0x400, s16, s15, $0x38;
	[tilespmem:$0x18000] =	vst v63  }
0x8b: {  	s23 =	sadd.s32 $0x40, s20;
	s22 =	sadd.s32 $0x400, s21  }
0x8c: {  	[hbm4b:s23+s15] =	stream.strided.scatter [tilespmem:s22], [sflag:$0x2], $0x400, s16, s15, $0x38;
	[tilespmem:$0x18000] =	vst v63  }
0x8d: {  	s22 =	sadd.s32 $0x800, s21;
	s23 =	sadd.s32 $0x80, s20  }
0x8e: {  	[hbm4b:s23+s15] =	stream.strided.scatter [tilespmem:s22], [sflag:$0x2], $0x400, s16, s15, $0x38;
	[tilespmem:$0x18000] =	vst v63  }
.Ltmp4:
0x8f: {  	s22 =	sadd.s32 $0xC00, s21;
	s23 =	sadd.s32 $0xC0, s20;
	(pc) =	sbr.rel @p0 .LBB2_10-.Ltmp4, $4  }
0x90: {  	[hbm4b:s23+s15] =	stream.strided.scatter [tilespmem:s22], [sflag:$0x2], $0x400, s16, s15, $0x38;
	[tilespmem:$0x18000] =	vst v63  }
0x91: {  	s22 =	sadd.s32 $0x1000, s21;
	s23 =	sadd.s32 $0x100, s20  }
0x92: {  	[hbm4b:s23+s15] =	stream.strided.scatter [tilespmem:s22], [sflag:$0x2], $0x400, s16, s15, $0x38;
	[tilespmem:$0x18000] =	vst v63  }
0x93: {  	s21 =	sadd.s32 $0x1400, s21;
	s22 =	sadd.s32 $0x140, s20;
	s20 =	sadd.s32 $0xC00, s20  }
0x94: {  	[hbm4b:s22+s15] =	stream.strided.scatter [tilespmem:s21], [sflag:$0x2], $0x400, s16, s15, $0x38;
	[tilespmem:$0x18000] =	vst v63  }
0x95: {  	s19 =	simm.s32 $0x0  }
0x96: {  	[hbm4b:s10+s15] =	stream.strided.scatter [tilespmem:s19], [sflag:$0x2], $0x400, s16, s15, $0x38;
	[tilespmem:$0x18000] =	vst v63  }
0x97: {  	s24 =	simm.s32 $0x400;
	s20 =	sadd.s32 $0x40, s10;
	s25 =	simm.s32 $0x800  }
0x98: {  	[hbm4b:s20+s15] =	stream.strided.scatter [tilespmem:s24], [sflag:$0x2], $0x400, s16, s15, $0x38;
	[tilespmem:$0x18000] =	vst v63  }
0x99: {  	s26 =	sadd.s32 $0x80, s10;
	s28 =	simm.s32 $0xC00;
	s29 =	sadd.s32 $0xC0, s10  }
0x9a: {  	[hbm4b:s26+s15] =	stream.strided.scatter [tilespmem:s25], [sflag:$0x2], $0x400, s16, s15, $0x38;
	[tilespmem:$0x18000] =	vst v63  }
0x9b: {  	s30 =	simm.s32 $0x1000;
	s31 =	sadd.s32 $0x100, s10;
	s21 =	simm.s32 $0x1400  }
0x9c: {  	[hbm4b:s29+s15] =	stream.strided.scatter [tilespmem:s28], [sflag:$0x2], $0x400, s16, s15, $0x38;
	[tilespmem:$0x18000] =	vst v63  }
0x9d: {  	s22 =	sadd.s32 $0x140, s10;
	s19 =	simm.s32 $0x6000;
	s20 =	sadd.s32 $0xC00, s10  }
0x9e: {  	[hbm4b:s31+s15] =	stream.strided.scatter [tilespmem:s30], [sflag:$0x2], $0x400, s16, s15, $0x38;
	[tilespmem:$0x18000] =	vst v63  }
.LBB2_12:
0x9f: {  	[hbm4b:s22+s15] =	stream.strided.scatter [tilespmem:s21], [sflag:$0x2], $0x400, s16, s15, $0x38;
	[tilespmem:$0x18000] =	vst v63  }
0xa0: {  	s21 =	sshra.s32 s19, $0x2;
	p0 =	sne.s32 s19, $0x5A000;
	s19 =	sadd.s32 $0x6000, s19  }
0xa1: {  	[hbm4b:s20+s15] =	stream.strided.scatter [tilespmem:s21], [sflag:$0x2], $0x400, s16, s15, $0x38;
	[tilespmem:$0x18000] =	vst v63  }
0xa2: {  	s23 =	sadd.s32 $0x40, s20;
	s22 =	sadd.s32 $0x400, s21  }
0xa3: {  	[hbm4b:s23+s15] =	stream.strided.scatter [tilespmem:s22], [sflag:$0x2], $0x400, s16, s15, $0x38;
	[tilespmem:$0x18000] =	vst v63  }
0xa4: {  	s22 =	sadd.s32 $0x800, s21;
	s23 =	sadd.s32 $0x80, s20  }
0xa5: {  	[hbm4b:s23+s15] =	stream.strided.scatter [tilespmem:s22], [sflag:$0x2], $0x400, s16, s15, $0x38;
	[tilespmem:$0x18000] =	vst v63  }
.Ltmp5:
0xa6: {  	s22 =	sadd.s32 $0xC00, s21;
	s23 =	sadd.s32 $0xC0, s20;
	(pc) =	sbr.rel @p0 .LBB2_12-.Ltmp5, $4  }
0xa7: {  	[hbm4b:s23+s15] =	stream.strided.scatter [tilespmem:s22], [sflag:$0x2], $0x400, s16, s15, $0x38;
	[tilespmem:$0x18000] =	vst v63  }
0xa8: {  	s22 =	sadd.s32 $0x1000, s21;
	s23 =	sadd.s32 $0x100, s20  }
0xa9: {  	[hbm4b:s23+s15] =	stream.strided.scatter [tilespmem:s22], [sflag:$0x2], $0x400, s16, s15, $0x38;
	[tilespmem:$0x18000] =	vst v63  }
0xaa: {  	s21 =	sadd.s32 $0x1400, s21;
	s22 =	sadd.s32 $0x140, s20;
	s20 =	sadd.s32 $0xC00, s20  }
0xab: {  	[hbm4b:s22+s15] =	stream.strided.scatter [tilespmem:s21], [sflag:$0x2], $0x400, s16, s15, $0x38;
	[tilespmem:$0x18000] =	vst v63  }
0xac: {  	s19 =	simm.s32 $0x0  }
0xad: {  	[hbm4b:s11+s15] =	stream.strided.scatter [tilespmem:s19], [sflag:$0x2], $0x400, s16, s15, $0x38;
	[tilespmem:$0x18000] =	vst v63  }
0xae: {  	s24 =	simm.s32 $0x400;
	s20 =	sadd.s32 $0x40, s11;
	s25 =	simm.s32 $0x800  }
0xaf: {  	[hbm4b:s20+s15] =	stream.strided.scatter [tilespmem:s24], [sflag:$0x2], $0x400, s16, s15, $0x38;
	[tilespmem:$0x18000] =	vst v63  }
0xb0: {  	s26 =	sadd.s32 $0x80, s11;
	s28 =	simm.s32 $0xC00;
	s29 =	sadd.s32 $0xC0, s11  }
0xb1: {  	[hbm4b:s26+s15] =	stream.strided.scatter [tilespmem:s25], [sflag:$0x2], $0x400, s16, s15, $0x38;
	[tilespmem:$0x18000] =	vst v63  }
0xb2: {  	s30 =	simm.s32 $0x1000;
	s31 =	sadd.s32 $0x100, s11;
	s21 =	simm.s32 $0x1400  }
0xb3: {  	[hbm4b:s29+s15] =	stream.strided.scatter [tilespmem:s28], [sflag:$0x2], $0x400, s16, s15, $0x38;
	[tilespmem:$0x18000] =	vst v63  }
0xb4: {  	s22 =	sadd.s32 $0x140, s11;
	s19 =	simm.s32 $0x6000;
	s20 =	sadd.s32 $0xC00, s11  }
0xb5: {  	[hbm4b:s31+s15] =	stream.strided.scatter [tilespmem:s30], [sflag:$0x2], $0x400, s16, s15, $0x38;
	[tilespmem:$0x18000] =	vst v63  }
.LBB2_14:
0xb6: {  	[hbm4b:s22+s15] =	stream.strided.scatter [tilespmem:s21], [sflag:$0x2], $0x400, s16, s15, $0x38;
	[tilespmem:$0x18000] =	vst v63  }
0xb7: {  	s21 =	sshra.s32 s19, $0x2;
	p0 =	sne.s32 s19, $0x5A000;
	s19 =	sadd.s32 $0x6000, s19  }
0xb8: {  	[hbm4b:s20+s15] =	stream.strided.scatter [tilespmem:s21], [sflag:$0x2], $0x400, s16, s15, $0x38;
	[tilespmem:$0x18000] =	vst v63  }
0xb9: {  	s23 =	sadd.s32 $0x40, s20;
	s22 =	sadd.s32 $0x400, s21  }
0xba: {  	[hbm4b:s23+s15] =	stream.strided.scatter [tilespmem:s22], [sflag:$0x2], $0x400, s16, s15, $0x38;
	[tilespmem:$0x18000] =	vst v63  }
0xbb: {  	s22 =	sadd.s32 $0x800, s21;
	s23 =	sadd.s32 $0x80, s20  }
0xbc: {  	[hbm4b:s23+s15] =	stream.strided.scatter [tilespmem:s22], [sflag:$0x2], $0x400, s16, s15, $0x38;
	[tilespmem:$0x18000] =	vst v63  }
.Ltmp6:
0xbd: {  	s22 =	sadd.s32 $0xC00, s21;
	s23 =	sadd.s32 $0xC0, s20;
	(pc) =	sbr.rel @p0 .LBB2_14-.Ltmp6, $4  }
0xbe: {  	[hbm4b:s23+s15] =	stream.strided.scatter [tilespmem:s22], [sflag:$0x2], $0x400, s16, s15, $0x38;
	[tilespmem:$0x18000] =	vst v63  }
0xbf: {  	s22 =	sadd.s32 $0x1000, s21;
	s23 =	sadd.s32 $0x100, s20  }
0xc0: {  	[hbm4b:s23+s15] =	stream.strided.scatter [tilespmem:s22], [sflag:$0x2], $0x400, s16, s15, $0x38;
	[tilespmem:$0x18000] =	vst v63  }
0xc1: {  	s21 =	sadd.s32 $0x1400, s21;
	s22 =	sadd.s32 $0x140, s20;
	s20 =	sadd.s32 $0xC00, s20  }
0xc2: {  	[hbm4b:s22+s15] =	stream.strided.scatter [tilespmem:s21], [sflag:$0x2], $0x400, s16, s15, $0x38;
	[tilespmem:$0x18000] =	vst v63  }
0xc3: {  	s19 =	simm.s32 $0x0  }
0xc4: {  	[hbm4b:s12+s15] =	stream.strided.scatter [tilespmem:s19], [sflag:$0x2], $0x400, s16, s15, $0x38;
	[tilespmem:$0x18000] =	vst v63  }
0xc5: {  	s24 =	simm.s32 $0x400;
	s20 =	sadd.s32 $0x40, s12;
	s25 =	simm.s32 $0x800  }
0xc6: {  	[hbm4b:s20+s15] =	stream.strided.scatter [tilespmem:s24], [sflag:$0x2], $0x400, s16, s15, $0x38;
	[tilespmem:$0x18000] =	vst v63  }
0xc7: {  	s26 =	sadd.s32 $0x80, s12;
	s28 =	simm.s32 $0xC00;
	s29 =	sadd.s32 $0xC0, s12  }
0xc8: {  	[hbm4b:s26+s15] =	stream.strided.scatter [tilespmem:s25], [sflag:$0x2], $0x400, s16, s15, $0x38;
	[tilespmem:$0x18000] =	vst v63  }
0xc9: {  	s30 =	simm.s32 $0x1000;
	s31 =	sadd.s32 $0x100, s12;
	s21 =	simm.s32 $0x1400  }
0xca: {  	[hbm4b:s29+s15] =	stream.strided.scatter [tilespmem:s28], [sflag:$0x2], $0x400, s16, s15, $0x38;
	[tilespmem:$0x18000] =	vst v63  }
0xcb: {  	s22 =	sadd.s32 $0x140, s12;
	s19 =	simm.s32 $0x6000;
	s20 =	sadd.s32 $0xC00, s12  }
0xcc: {  	[hbm4b:s31+s15] =	stream.strided.scatter [tilespmem:s30], [sflag:$0x2], $0x400, s16, s15, $0x38;
	[tilespmem:$0x18000] =	vst v63  }
.LBB2_16:
0xcd: {  	[hbm4b:s22+s15] =	stream.strided.scatter [tilespmem:s21], [sflag:$0x2], $0x400, s16, s15, $0x38;
	[tilespmem:$0x18000] =	vst v63  }
0xce: {  	s21 =	sshra.s32 s19, $0x2;
	p0 =	sne.s32 s19, $0x5A000;
	s19 =	sadd.s32 $0x6000, s19  }
0xcf: {  	[hbm4b:s20+s15] =	stream.strided.scatter [tilespmem:s21], [sflag:$0x2], $0x400, s16, s15, $0x38;
	[tilespmem:$0x18000] =	vst v63  }
0xd0: {  	s23 =	sadd.s32 $0x40, s20;
	s22 =	sadd.s32 $0x400, s21  }
0xd1: {  	[hbm4b:s23+s15] =	stream.strided.scatter [tilespmem:s22], [sflag:$0x2], $0x400, s16, s15, $0x38;
	[tilespmem:$0x18000] =	vst v63  }
0xd2: {  	s22 =	sadd.s32 $0x800, s21;
	s23 =	sadd.s32 $0x80, s20  }
0xd3: {  	[hbm4b:s23+s15] =	stream.strided.scatter [tilespmem:s22], [sflag:$0x2], $0x400, s16, s15, $0x38;
	[tilespmem:$0x18000] =	vst v63  }
.Ltmp7:
0xd4: {  	s22 =	sadd.s32 $0xC00, s21;
	s23 =	sadd.s32 $0xC0, s20;
	(pc) =	sbr.rel @p0 .LBB2_16-.Ltmp7, $4  }
0xd5: {  	[hbm4b:s23+s15] =	stream.strided.scatter [tilespmem:s22], [sflag:$0x2], $0x400, s16, s15, $0x38;
	[tilespmem:$0x18000] =	vst v63  }
0xd6: {  	s22 =	sadd.s32 $0x1000, s21;
	s23 =	sadd.s32 $0x100, s20  }
0xd7: {  	[hbm4b:s23+s15] =	stream.strided.scatter [tilespmem:s22], [sflag:$0x2], $0x400, s16, s15, $0x38;
	[tilespmem:$0x18000] =	vst v63  }
0xd8: {  	s21 =	sadd.s32 $0x1400, s21;
	s22 =	sadd.s32 $0x140, s20;
	s20 =	sadd.s32 $0xC00, s20  }
0xd9: {  	[hbm4b:s22+s15] =	stream.strided.scatter [tilespmem:s21], [sflag:$0x2], $0x400, s16, s15, $0x38;
	[tilespmem:$0x18000] =	vst v63  }
0xda: {  	_ =	swait.ge [sflag:s17], $0x18000  }
0xdb: {  	[sflag:s17] =	ssyncset.done $0x0  }
0xdc: {  	[sflag:s17] =	ssyncadd.s32 $0xFFFE8000  }
0xdd: {  	_ =	swait.ge [sflag:s17], $0x18000  }
0xde: {  	[sflag:s17] =	ssyncset.done $0x0  }
0xdf: {  	s18 =	sadd.s32 $0x1, s18;
	[sflag:s17] =	ssyncadd.s32 $0xFFFE8000  }
0xe0: {  	p0 =	sne.s32 s18, s13;
	_ =	swait.ge [sflag:s17], $0x18000  }
.Ltmp8:
0xe1: {  	[sflag:s17] =	ssyncset.done $0x0;
	(pc) =	sbr.rel @p0 .LBB2_1-.Ltmp8, $4  }
0xe2: {  	[sflag:s17] =	ssyncadd.s32 $0xFFFE8000  }
0xe3: {  	_ =	swait.ge [sflag:s17], $0x18000  }
0xe4: {  	[sflag:s17] =	ssyncset.done $0x0  }
0xe5: {  	[sflag:s17] =	ssyncadd.s32 $0xFFFE8000  }
0xe6: {  	_ =	sfence.sel $0x180000  }
0xe7: {  	[bflag:$0x0] =	sbarrier.arrive $0xFFFF  }
0xe8: {  	p0 =	sne.s32 s1, $0x0;
	_ =	strace $0x90000047  }
0xe9: {  	s0 =	sadd.s32 @!p0 $0x100000, s0;
	[bflag:$0x2] =	sbarrier.arrive $0xFFFF  }
0xea: {  	[sflag:s0] =	ssyncadd.tile.s32 @!p0 $0x1;
	_ =	shalt  }
.Lfunc_end2:
_tile_overlayer_lowered:
.L_overlay_start_2:
0xeb: {  	(tag) =	ssettag $0x2  }
0xec: {  	s0 =	rddreg [dreg:$0x0];
	s2 =	stileid.u32  }
0xed: {  	s1 =	rddreg [dreg:$0x1];
	p0 =	sne.s32 s2, $0x0  }
0xee: {  	s3 =	rddreg [dreg:$0x2];
	[bflag:$0x3] =	sbarrier.arrive $0xFFFF;
	s2 =	simm.s32 @!p0 $0x1C03  }
0xef: {  	[timem:s3], [sflag:s2] =	dma.local @!p0 [hbm:s0], s1  }
0xf0: {  	s0 =	simm.s32 @!p0 $0x3  }
0xf1: {  	_ =	swait.ge @!p0 [sflag:s0], s1  }
0xf2: {  	s1 =	ssub.s32 @!p0 $0x0, s1;
	[sflag:s0] =	ssyncset.done @!p0 $0x0  }
0xf3: {  	[sflag:s0] =	ssyncadd.s32 @!p0 s1  }
0xf4: {  	[bflag:$0x3] =	sbarrier.arrive $0xFFFF  }
0xf5: {  	_ =	shalt  }

</sc_bundles>
